<compile_context>
chip_gen: v7x
topology: tpu7x:2x2x1
jax: 0.10.2.dev20260603
libtpu: 0.0.44.dev20260713+nightly
codegen_flags: <defaults>
</compile_context>

<pallas_src>
import functools

import jax
import jax.numpy as jnp
from jax import lax
from jax.experimental import pallas as pl
from jax.experimental.pallas import tpu as pltpu
from jax.experimental.pallas import tpu_sc as plsc

VOCAB = 100000
EMB = 128
HIDDEN = 1024
OUT = 1000
B = 4096
L = 5

_NUM_WORKERS = 32
_BPW = B // _NUM_WORKERS
_RPW = _BPW * L


def _sc_gather(table, idx_lmajor):
    mesh = plsc.VectorSubcoreMesh(core_axis_name="c", subcore_axis_name="s")

    @functools.partial(
        pl.kernel,
        mesh=mesh,
        out_type=jax.ShapeDtypeStruct((L * B, EMB), jnp.float32),
        scratch_types=[
            pltpu.VMEM((_RPW,), jnp.int32),
            pltpu.VMEM((_RPW, EMB), jnp.float32),
            pltpu.SemaphoreType.DMA,
            pltpu.SemaphoreType.DMA,
            pltpu.SemaphoreType.DMA,
        ],
    )
    def k(table_hbm, idx_hbm, out_hbm, idx_v, rows_v, sem_i, sem_g, sem_o):
        wid = lax.axis_index("s") * 2 + lax.axis_index("c")
        base = wid * _BPW
        idx_c, gat_c, out_c = [], [], []
        for l in range(L):
            idx_c.append(pltpu.async_copy(
                idx_hbm.at[pl.ds(l * B + base, _BPW)],
                idx_v.at[pl.ds(l * _BPW, _BPW)], sem_i))
        for l in range(L):
            sl = pl.ds(l * _BPW, _BPW)
            idx_c[l].wait()
            gat_c.append(
                pltpu.async_copy(table_hbm.at[idx_v.at[sl]], rows_v.at[sl],
                                 sem_g))
        for l in range(L):
            sl = pl.ds(l * _BPW, _BPW)
            gat_c[l].wait()
            out_c.append(pltpu.async_copy(
                rows_v.at[sl], out_hbm.at[pl.ds(l * B + base, _BPW)], sem_o))
        for c in out_c:
            c.wait()

    return k(table, idx_lmajor)


def _mlp_body(x_ref, w1_ref, b1_ref, w2t_ref, b2t_ref, ot_ref):
    xs = x_ref[...].astype(jnp.bfloat16)
    xcat = jnp.concatenate([xs[l] for l in range(L)], axis=1)
    h = jnp.dot(xcat, w1_ref[...], preferred_element_type=jnp.float32)
    h = jnp.maximum(h + b1_ref[...], 0.0).astype(jnp.bfloat16)
    ot = lax.dot_general(w2t_ref[...], h,
                         (((1,), (1,)), ((), ())),
                         preferred_element_type=jnp.float32)
    ot_ref[...] = ot + b2t_ref[...]


_BM = 512


def _tc_mlp(emb3, w1, b1, w2t, b2t):
    grid = (B // _BM,)
    return pl.pallas_call(
        _mlp_body,
        grid=grid,
        in_specs=[
            pl.BlockSpec((L, _BM, EMB), lambda i: (0, i, 0)),
            pl.BlockSpec((EMB * L, HIDDEN), lambda i: (0, 0)),
            pl.BlockSpec((1, HIDDEN), lambda i: (0, 0)),
            pl.BlockSpec((OUT, HIDDEN), lambda i: (0, 0)),
            pl.BlockSpec((OUT, 1), lambda i: (0, 0)),
        ],
        out_specs=pl.BlockSpec((OUT, _BM), lambda i: (0, i)),
        out_shape=jax.ShapeDtypeStruct((OUT, B), jnp.float32),
        compiler_params=pltpu.CompilerParams(
            dimension_semantics=("parallel",),
        ),
    )(emb3, w1, b1, w2t, b2t)


def kernel(x, emb_table, W1, b1, W2, b2):
    idx_lmajor = x.astype(jnp.int32).T.reshape(-1)
    rows = _sc_gather(emb_table, idx_lmajor)
    emb3 = rows.reshape(L, B, EMB)
    out_t = _tc_mlp(emb3, W1.astype(jnp.bfloat16), b1.reshape(1, HIDDEN),
                    W2.T.astype(jnp.bfloat16), b2.reshape(OUT, 1))
    return out_t.T

# --- scband reference (transcript-rebuilt; emitter-appended) ---
"""Pipeline reference for scband-mlpclassifier-57449482551972 (READ-ONLY COPY).

The authoritative reference and input builder live on the scoring server;
editing this copy changes nothing except your own understanding.
"""

import jax, jax.numpy as jnp
import numpy as np

VOCAB = 100000
EMB = 128
HIDDEN = 1024
OUT = 1000
B = 4096
L = 5

def setup_inputs(seed: int = 0) -> dict:
    key = jax.random.key(seed)
    k1, k2, k3, k4, k5, k6 = jax.random.split(key, 6)
    x = jax.random.randint(k1, (B, L), 0, VOCAB, dtype=jnp.int64 if jax.config.jax_enable_x64 else jnp.int32)
    emb_table = jax.random.normal(k2, (VOCAB, EMB), dtype=jnp.float32)
    W1 = jax.random.normal(k3, (EMB * L, HIDDEN), dtype=jnp.float32) * (1.0 / np.sqrt(EMB * L))
    b1 = jnp.zeros((HIDDEN,), dtype=jnp.float32)
    W2 = jax.random.normal(k4, (HIDDEN, OUT), dtype=jnp.float32) * (1.0 / np.sqrt(HIDDEN))
    b2 = jnp.zeros((OUT,), dtype=jnp.float32)
    return {"x": x, "emb_table": emb_table, "W1": W1, "b1": b1, "W2": W2, "b2": b2}

def reference(x, emb_table, W1, b1, W2, b2):
    emb = jnp.take(emb_table, x, axis=0)          # [B, L, EMB]
    flat = emb.reshape(x.shape[0], -1)            # [B, L*EMB]
    h = jnp.maximum(flat @ W1 + b1, 0.0)          # ReLU
    out = h @ W2 + b2                             # [B, OUT]
    return out

if __name__ == "__main__":
    import jax
    _d = setup_inputs()
    print(jax.jit(kernel)(*tuple(_d.values())))

</pallas_src>

<mosaic_0001>
#map = affine_map<(d0, d1) -> (0, 0)>
#map1 = affine_map<(d0, d1) -> (0)>
module attributes {stable_mosaic.version = 14 : i64} {
  func.func @k(%arg0: i32, %arg1: i32, %arg2: memref<100000x128xf32, #tpu.memory_space<hbm>>, %arg3: memref<20480xi32, #tpu.memory_space<hbm>>, %arg4: memref<20480x128xf32, #tpu.memory_space<hbm>>, %arg5: memref<640xi32, #tpu.memory_space<vmem>>, %arg6: memref<640x128xf32, #tpu.memory_space<vmem>>, %arg7: memref<!tpu.dma_semaphore, #tpu.memory_space<semaphore_mem>>, %arg8: memref<!tpu.dma_semaphore, #tpu.memory_space<semaphore_mem>>, %arg9: memref<!tpu.dma_semaphore, #tpu.memory_space<semaphore_mem>>) attributes {dimension_semantics = [#tpu.dimension_semantics<core_parallel>, #tpu.dimension_semantics<subcore_parallel>], iteration_bounds = array<i64: 2, 16>, scalar_prefetch = 0 : i64, scratch_operands = 5 : i64, tpu.core_type = #tpu.core_type<sc_vector_subcore>, window_params = [{transform_indices = #map}, {transform_indices = #map1}, {transform_indices = #map}]} {
    %mul3A = arith.constant 2 : i32
    %mul3A_0 = arith.muli %arg1, %mul3A : i32
    %add3A = arith.addi %mul3A_0, %arg0 : i32
    %mul3A_1 = arith.constant 128 : i32
    %mul3A_2 = arith.muli %add3A, %mul3A_1 : i32
    %add3A_3 = arith.constant 0 : i32
    %add3A_4 = arith.addi %add3A_3, %mul3A_2 : i32
    %dma_start3A = arith.constant 0 : i32
    %dma_start3A_5 = tpu.memref_slice %arg5[%dma_start3A] : memref<640xi32, #tpu.memory_space<vmem>> -> memref<128xi32, #tpu.memory_space<vmem>>
    %dma_start3A_6 = tpu.memref_slice %arg3[%add3A_4] : memref<20480xi32, #tpu.memory_space<hbm>> -> memref<128xi32, #tpu.memory_space<hbm>>
    %dma_start3A_7 = arith.constant 0 : i32
    %dma_start3A_8 = tpu.memref_slice %arg5[%dma_start3A_7] : memref<640xi32, #tpu.memory_space<vmem>> -> memref<128xi32, #tpu.memory_space<vmem>>
    %dma_start3A_9 = tpu.memref_slice %arg3[%add3A_4] : memref<20480xi32, #tpu.memory_space<hbm>> -> memref<128xi32, #tpu.memory_space<hbm>>
    tpu.enqueue_dma source(%dma_start3A_9 : memref<128xi32, #tpu.memory_space<hbm>>) target(%dma_start3A_8 : memref<128xi32, #tpu.memory_space<vmem>>) target_semaphore(%arg7 : memref<!tpu.dma_semaphore, #tpu.memory_space<semaphore_mem>>)
    %add3A_10 = arith.constant 4096 : i32
    %add3A_11 = arith.addi %add3A_10, %mul3A_2 : i32
    %dma_start3A_12 = arith.constant 128 : i32
    %dma_start3A_13 = tpu.memref_slice %arg5[%dma_start3A_12] : memref<640xi32, #tpu.memory_space<vmem>> -> memref<128xi32, #tpu.memory_space<vmem>>
    %dma_start3A_14 = tpu.memref_slice %arg3[%add3A_11] : memref<20480xi32, #tpu.memory_space<hbm>> -> memref<128xi32, #tpu.memory_space<hbm>>
    %dma_start3A_15 = arith.constant 128 : i32
    %dma_start3A_16 = tpu.memref_slice %arg5[%dma_start3A_15] : memref<640xi32, #tpu.memory_space<vmem>> -> memref<128xi32, #tpu.memory_space<vmem>>
    %dma_start3A_17 = tpu.memref_slice %arg3[%add3A_11] : memref<20480xi32, #tpu.memory_space<hbm>> -> memref<128xi32, #tpu.memory_space<hbm>>
    tpu.enqueue_dma source(%dma_start3A_17 : memref<128xi32, #tpu.memory_space<hbm>>) target(%dma_start3A_16 : memref<128xi32, #tpu.memory_space<vmem>>) target_semaphore(%arg7 : memref<!tpu.dma_semaphore, #tpu.memory_space<semaphore_mem>>)
    %add3A_18 = arith.constant 8192 : i32
    %add3A_19 = arith.addi %add3A_18, %mul3A_2 : i32
    %dma_start3A_20 = arith.constant 256 : i32
    %dma_start3A_21 = tpu.memref_slice %arg5[%dma_start3A_20] : memref<640xi32, #tpu.memory_space<vmem>> -> memref<128xi32, #tpu.memory_space<vmem>>
    %dma_start3A_22 = tpu.memref_slice %arg3[%add3A_19] : memref<20480xi32, #tpu.memory_space<hbm>> -> memref<128xi32, #tpu.memory_space<hbm>>
    %dma_start3A_23 = arith.constant 256 : i32
    %dma_start3A_24 = tpu.memref_slice %arg5[%dma_start3A_23] : memref<640xi32, #tpu.memory_space<vmem>> -> memref<128xi32, #tpu.memory_space<vmem>>
    %dma_start3A_25 = tpu.memref_slice %arg3[%add3A_19] : memref<20480xi32, #tpu.memory_space<hbm>> -> memref<128xi32, #tpu.memory_space<hbm>>
    tpu.enqueue_dma source(%dma_start3A_25 : memref<128xi32, #tpu.memory_space<hbm>>) target(%dma_start3A_24 : memref<128xi32, #tpu.memory_space<vmem>>) target_semaphore(%arg7 : memref<!tpu.dma_semaphore, #tpu.memory_space<semaphore_mem>>)
    %add3A_26 = arith.constant 12288 : i32
    %add3A_27 = arith.addi %add3A_26, %mul3A_2 : i32
    %dma_start3A_28 = arith.constant 384 : i32
    %dma_start3A_29 = tpu.memref_slice %arg5[%dma_start3A_28] : memref<640xi32, #tpu.memory_space<vmem>> -> memref<128xi32, #tpu.memory_space<vmem>>
    %dma_start3A_30 = tpu.memref_slice %arg3[%add3A_27] : memref<20480xi32, #tpu.memory_space<hbm>> -> memref<128xi32, #tpu.memory_space<hbm>>
    %dma_start3A_31 = arith.constant 384 : i32
    %dma_start3A_32 = tpu.memref_slice %arg5[%dma_start3A_31] : memref<640xi32, #tpu.memory_space<vmem>> -> memref<128xi32, #tpu.memory_space<vmem>>
    %dma_start3A_33 = tpu.memref_slice %arg3[%add3A_27] : memref<20480xi32, #tpu.memory_space<hbm>> -> memref<128xi32, #tpu.memory_space<hbm>>
    tpu.enqueue_dma source(%dma_start3A_33 : memref<128xi32, #tpu.memory_space<hbm>>) target(%dma_start3A_32 : memref<128xi32, #tpu.memory_space<vmem>>) target_semaphore(%arg7 : memref<!tpu.dma_semaphore, #tpu.memory_space<semaphore_mem>>)
    %add3A_34 = arith.constant 16384 : i32
    %add3A_35 = arith.addi %add3A_34, %mul3A_2 : i32
    %dma_start3A_36 = arith.constant 512 : i32
    %dma_start3A_37 = tpu.memref_slice %arg5[%dma_start3A_36] : memref<640xi32, #tpu.memory_space<vmem>> -> memref<128xi32, #tpu.memory_space<vmem>>
    %dma_start3A_38 = tpu.memref_slice %arg3[%add3A_35] : memref<20480xi32, #tpu.memory_space<hbm>> -> memref<128xi32, #tpu.memory_space<hbm>>
    %dma_start3A_39 = arith.constant 512 : i32
    %dma_start3A_40 = tpu.memref_slice %arg5[%dma_start3A_39] : memref<640xi32, #tpu.memory_space<vmem>> -> memref<128xi32, #tpu.memory_space<vmem>>
    %dma_start3A_41 = tpu.memref_slice %arg3[%add3A_35] : memref<20480xi32, #tpu.memory_space<hbm>> -> memref<128xi32, #tpu.memory_space<hbm>>
    tpu.enqueue_dma source(%dma_start3A_41 : memref<128xi32, #tpu.memory_space<hbm>>) target(%dma_start3A_40 : memref<128xi32, #tpu.memory_space<vmem>>) target_semaphore(%arg7 : memref<!tpu.dma_semaphore, #tpu.memory_space<semaphore_mem>>)
    %dma_wait3A = arith.constant 0 : i32
    %dma_wait3A_42 = tpu.memref_slice %arg5[%dma_wait3A] : memref<640xi32, #tpu.memory_space<vmem>> -> memref<128xi32, #tpu.memory_space<vmem>>
    %dma_wait3A_43 = tpu.memref_slice %arg3[%add3A_4] : memref<20480xi32, #tpu.memory_space<hbm>> -> memref<128xi32, #tpu.memory_space<hbm>>
    %dma_wait3A_44 = arith.constant 0 : i32
    %dma_wait3A_45 = tpu.memref_slice %arg5[%dma_wait3A_44] : memref<640xi32, #tpu.memory_space<vmem>> -> memref<128xi32, #tpu.memory_space<vmem>>
    %dma_wait3A_46 = tpu.memref_slice %arg3[%add3A_4] : memref<20480xi32, #tpu.memory_space<hbm>> -> memref<128xi32, #tpu.memory_space<hbm>>
    tpu.wait_dma2 semaphore(%arg7 : memref<!tpu.dma_semaphore, #tpu.memory_space<semaphore_mem>>) src(%dma_wait3A_46 : memref<128xi32, #tpu.memory_space<hbm>>) dst(%dma_wait3A_45 : memref<128xi32, #tpu.memory_space<vmem>>)
    %dma_start3A_47 = arith.constant 0 : i32
    %dma_start3A_48 = arith.constant 0 : i32
    %dma_start3A_49 = tpu.memref_slice %arg6[%dma_start3A_47, %dma_start3A_48] : memref<640x128xf32, #tpu.memory_space<vmem>> -> memref<128x128xf32, #tpu.memory_space<vmem>>
    %dma_start3A_50 = arith.constant 0 : i32
    %dma_start3A_51 = tpu.memref_slice %arg5[%dma_start3A_50] : memref<640xi32, #tpu.memory_space<vmem>> -> memref<128xi32, #tpu.memory_space<vmem>>
    %dma_start3A_52 = arith.constant 0 : i32
    %dma_start3A_53 = arith.constant 0 : i32
    %dma_start3A_54 = tpu.memref_slice %arg2[%dma_start3A_52, %dma_start3A_53] : memref<100000x128xf32, #tpu.memory_space<hbm>> -> memref<100000x128xf32, #tpu.memory_space<hbm>>
    tpu.enqueue_indirect_dma source(%dma_start3A_54 : memref<100000x128xf32, #tpu.memory_space<hbm>>) target(%dma_start3A_49 : memref<128x128xf32, #tpu.memory_space<vmem>>) offsets(%dma_start3A_51 : memref<128xi32, #tpu.memory_space<vmem>>) semaphore(%arg8 : memref<!tpu.dma_semaphore, #tpu.memory_space<semaphore_mem>>)
    %dma_wait3A_55 = arith.constant 128 : i32
    %dma_wait3A_56 = tpu.memref_slice %arg5[%dma_wait3A_55] : memref<640xi32, #tpu.memory_space<vmem>> -> memref<128xi32, #tpu.memory_space<vmem>>
    %dma_wait3A_57 = tpu.memref_slice %arg3[%add3A_11] : memref<20480xi32, #tpu.memory_space<hbm>> -> memref<128xi32, #tpu.memory_space<hbm>>
    %dma_wait3A_58 = arith.constant 128 : i32
    %dma_wait3A_59 = tpu.memref_slice %arg5[%dma_wait3A_58] : memref<640xi32, #tpu.memory_space<vmem>> -> memref<128xi32, #tpu.memory_space<vmem>>
    %dma_wait3A_60 = tpu.memref_slice %arg3[%add3A_11] : memref<20480xi32, #tpu.memory_space<hbm>> -> memref<128xi32, #tpu.memory_space<hbm>>
    tpu.wait_dma2 semaphore(%arg7 : memref<!tpu.dma_semaphore, #tpu.memory_space<semaphore_mem>>) src(%dma_wait3A_60 : memref<128xi32, #tpu.memory_space<hbm>>) dst(%dma_wait3A_59 : memref<128xi32, #tpu.memory_space<vmem>>)
    %dma_start3A_61 = arith.constant 128 : i32
    %dma_start3A_62 = arith.constant 0 : i32
    %dma_start3A_63 = tpu.memref_slice %arg6[%dma_start3A_61, %dma_start3A_62] : memref<640x128xf32, #tpu.memory_space<vmem>> -> memref<128x128xf32, #tpu.memory_space<vmem>>
    %dma_start3A_64 = arith.constant 128 : i32
    %dma_start3A_65 = tpu.memref_slice %arg5[%dma_start3A_64] : memref<640xi32, #tpu.memory_space<vmem>> -> memref<128xi32, #tpu.memory_space<vmem>>
    %dma_start3A_66 = arith.constant 0 : i32
    %dma_start3A_67 = arith.constant 0 : i32
    %dma_start3A_68 = tpu.memref_slice %arg2[%dma_start3A_66, %dma_start3A_67] : memref<100000x128xf32, #tpu.memory_space<hbm>> -> memref<100000x128xf32, #tpu.memory_space<hbm>>
    tpu.enqueue_indirect_dma source(%dma_start3A_68 : memref<100000x128xf32, #tpu.memory_space<hbm>>) target(%dma_start3A_63 : memref<128x128xf32, #tpu.memory_space<vmem>>) offsets(%dma_start3A_65 : memref<128xi32, #tpu.memory_space<vmem>>) semaphore(%arg8 : memref<!tpu.dma_semaphore, #tpu.memory_space<semaphore_mem>>)
    %dma_wait3A_69 = arith.constant 256 : i32
    %dma_wait3A_70 = tpu.memref_slice %arg5[%dma_wait3A_69] : memref<640xi32, #tpu.memory_space<vmem>> -> memref<128xi32, #tpu.memory_space<vmem>>
    %dma_wait3A_71 = tpu.memref_slice %arg3[%add3A_19] : memref<20480xi32, #tpu.memory_space<hbm>> -> memref<128xi32, #tpu.memory_space<hbm>>
    %dma_wait3A_72 = arith.constant 256 : i32
    %dma_wait3A_73 = tpu.memref_slice %arg5[%dma_wait3A_72] : memref<640xi32, #tpu.memory_space<vmem>> -> memref<128xi32, #tpu.memory_space<vmem>>
    %dma_wait3A_74 = tpu.memref_slice %arg3[%add3A_19] : memref<20480xi32, #tpu.memory_space<hbm>> -> memref<128xi32, #tpu.memory_space<hbm>>
    tpu.wait_dma2 semaphore(%arg7 : memref<!tpu.dma_semaphore, #tpu.memory_space<semaphore_mem>>) src(%dma_wait3A_74 : memref<128xi32, #tpu.memory_space<hbm>>) dst(%dma_wait3A_73 : memref<128xi32, #tpu.memory_space<vmem>>)
    %dma_start3A_75 = arith.constant 256 : i32
    %dma_start3A_76 = arith.constant 0 : i32
    %dma_start3A_77 = tpu.memref_slice %arg6[%dma_start3A_75, %dma_start3A_76] : memref<640x128xf32, #tpu.memory_space<vmem>> -> memref<128x128xf32, #tpu.memory_space<vmem>>
    %dma_start3A_78 = arith.constant 256 : i32
    %dma_start3A_79 = tpu.memref_slice %arg5[%dma_start3A_78] : memref<640xi32, #tpu.memory_space<vmem>> -> memref<128xi32, #tpu.memory_space<vmem>>
    %dma_start3A_80 = arith.constant 0 : i32
    %dma_start3A_81 = arith.constant 0 : i32
    %dma_start3A_82 = tpu.memref_slice %arg2[%dma_start3A_80, %dma_start3A_81] : memref<100000x128xf32, #tpu.memory_space<hbm>> -> memref<100000x128xf32, #tpu.memory_space<hbm>>
    tpu.enqueue_indirect_dma source(%dma_start3A_82 : memref<100000x128xf32, #tpu.memory_space<hbm>>) target(%dma_start3A_77 : memref<128x128xf32, #tpu.memory_space<vmem>>) offsets(%dma_start3A_79 : memref<128xi32, #tpu.memory_space<vmem>>) semaphore(%arg8 : memref<!tpu.dma_semaphore, #tpu.memory_space<semaphore_mem>>)
    %dma_wait3A_83 = arith.constant 384 : i32
    %dma_wait3A_84 = tpu.memref_slice %arg5[%dma_wait3A_83] : memref<640xi32, #tpu.memory_space<vmem>> -> memref<128xi32, #tpu.memory_space<vmem>>
    %dma_wait3A_85 = tpu.memref_slice %arg3[%add3A_27] : memref<20480xi32, #tpu.memory_space<hbm>> -> memref<128xi32, #tpu.memory_space<hbm>>
    %dma_wait3A_86 = arith.constant 384 : i32
    %dma_wait3A_87 = tpu.memref_slice %arg5[%dma_wait3A_86] : memref<640xi32, #tpu.memory_space<vmem>> -> memref<128xi32, #tpu.memory_space<vmem>>
    %dma_wait3A_88 = tpu.memref_slice %arg3[%add3A_27] : memref<20480xi32, #tpu.memory_space<hbm>> -> memref<128xi32, #tpu.memory_space<hbm>>
    tpu.wait_dma2 semaphore(%arg7 : memref<!tpu.dma_semaphore, #tpu.memory_space<semaphore_mem>>) src(%dma_wait3A_88 : memref<128xi32, #tpu.memory_space<hbm>>) dst(%dma_wait3A_87 : memref<128xi32, #tpu.memory_space<vmem>>)
    %dma_start3A_89 = arith.constant 384 : i32
    %dma_start3A_90 = arith.constant 0 : i32
    %dma_start3A_91 = tpu.memref_slice %arg6[%dma_start3A_89, %dma_start3A_90] : memref<640x128xf32, #tpu.memory_space<vmem>> -> memref<128x128xf32, #tpu.memory_space<vmem>>
    %dma_start3A_92 = arith.constant 384 : i32
    %dma_start3A_93 = tpu.memref_slice %arg5[%dma_start3A_92] : memref<640xi32, #tpu.memory_space<vmem>> -> memref<128xi32, #tpu.memory_space<vmem>>
    %dma_start3A_94 = arith.constant 0 : i32
    %dma_start3A_95 = arith.constant 0 : i32
    %dma_start3A_96 = tpu.memref_slice %arg2[%dma_start3A_94, %dma_start3A_95] : memref<100000x128xf32, #tpu.memory_space<hbm>> -> memref<100000x128xf32, #tpu.memory_space<hbm>>
    tpu.enqueue_indirect_dma source(%dma_start3A_96 : memref<100000x128xf32, #tpu.memory_space<hbm>>) target(%dma_start3A_91 : memref<128x128xf32, #tpu.memory_space<vmem>>) offsets(%dma_start3A_93 : memref<128xi32, #tpu.memory_space<vmem>>) semaphore(%arg8 : memref<!tpu.dma_semaphore, #tpu.memory_space<semaphore_mem>>)
    %dma_wait3A_97 = arith.constant 512 : i32
    %dma_wait3A_98 = tpu.memref_slice %arg5[%dma_wait3A_97] : memref<640xi32, #tpu.memory_space<vmem>> -> memref<128xi32, #tpu.memory_space<vmem>>
    %dma_wait3A_99 = tpu.memref_slice %arg3[%add3A_35] : memref<20480xi32, #tpu.memory_space<hbm>> -> memref<128xi32, #tpu.memory_space<hbm>>
    %dma_wait3A_100 = arith.constant 512 : i32
    %dma_wait3A_101 = tpu.memref_slice %arg5[%dma_wait3A_100] : memref<640xi32, #tpu.memory_space<vmem>> -> memref<128xi32, #tpu.memory_space<vmem>>
    %dma_wait3A_102 = tpu.memref_slice %arg3[%add3A_35] : memref<20480xi32, #tpu.memory_space<hbm>> -> memref<128xi32, #tpu.memory_space<hbm>>
    tpu.wait_dma2 semaphore(%arg7 : memref<!tpu.dma_semaphore, #tpu.memory_space<semaphore_mem>>) src(%dma_wait3A_102 : memref<128xi32, #tpu.memory_space<hbm>>) dst(%dma_wait3A_101 : memref<128xi32, #tpu.memory_space<vmem>>)
    %dma_start3A_103 = arith.constant 512 : i32
    %dma_start3A_104 = arith.constant 0 : i32
    %dma_start3A_105 = tpu.memref_slice %arg6[%dma_start3A_103, %dma_start3A_104] : memref<640x128xf32, #tpu.memory_space<vmem>> -> memref<128x128xf32, #tpu.memory_space<vmem>>
    %dma_start3A_106 = arith.constant 512 : i32
    %dma_start3A_107 = tpu.memref_slice %arg5[%dma_start3A_106] : memref<640xi32, #tpu.memory_space<vmem>> -> memref<128xi32, #tpu.memory_space<vmem>>
    %dma_start3A_108 = arith.constant 0 : i32
    %dma_start3A_109 = arith.constant 0 : i32
    %dma_start3A_110 = tpu.memref_slice %arg2[%dma_start3A_108, %dma_start3A_109] : memref<100000x128xf32, #tpu.memory_space<hbm>> -> memref<100000x128xf32, #tpu.memory_space<hbm>>
    tpu.enqueue_indirect_dma source(%dma_start3A_110 : memref<100000x128xf32, #tpu.memory_space<hbm>>) target(%dma_start3A_105 : memref<128x128xf32, #tpu.memory_space<vmem>>) offsets(%dma_start3A_107 : memref<128xi32, #tpu.memory_space<vmem>>) semaphore(%arg8 : memref<!tpu.dma_semaphore, #tpu.memory_space<semaphore_mem>>)
    %dma_wait3A_111 = arith.constant 0 : i32
    %dma_wait3A_112 = arith.constant 0 : i32
    %dma_wait3A_113 = tpu.memref_slice %arg6[%dma_wait3A_111, %dma_wait3A_112] : memref<640x128xf32, #tpu.memory_space<vmem>> -> memref<128x128xf32, #tpu.memory_space<vmem>>
    %dma_wait3A_114 = arith.constant 0 : i32
    %dma_wait3A_115 = tpu.memref_slice %arg5[%dma_wait3A_114] : memref<640xi32, #tpu.memory_space<vmem>> -> memref<128xi32, #tpu.memory_space<vmem>>
    %dma_wait3A_116 = arith.constant 0 : i32
    %dma_wait3A_117 = arith.constant 0 : i32
    %dma_wait3A_118 = tpu.memref_slice %arg2[%dma_wait3A_116, %dma_wait3A_117] : memref<100000x128xf32, #tpu.memory_space<hbm>> -> memref<100000x128xf32, #tpu.memory_space<hbm>>
    tpu.wait_indirect_dma semaphore(%arg8 : memref<!tpu.dma_semaphore, #tpu.memory_space<semaphore_mem>>) src(%dma_wait3A_118 : memref<100000x128xf32, #tpu.memory_space<hbm>>) dst(%dma_wait3A_113 : memref<128x128xf32, #tpu.memory_space<vmem>>)
    %add3A_119 = arith.constant 0 : i32
    %add3A_120 = arith.addi %add3A_119, %mul3A_2 : i32
    %dma_start3A_121 = arith.constant 0 : i32
    %dma_start3A_122 = arith.constant 0 : i32
    %dma_start3A_123 = tpu.memref_slice %arg6[%dma_start3A_121, %dma_start3A_122] : memref<640x128xf32, #tpu.memory_space<vmem>> -> memref<128x128xf32, #tpu.memory_space<vmem>>
    %dma_start3A_124 = arith.constant 0 : i32
    %dma_start3A_125 = tpu.memref_slice %arg4[%add3A_120, %dma_start3A_124] : memref<20480x128xf32, #tpu.memory_space<hbm>> -> memref<128x128xf32, #tpu.memory_space<hbm>>
    %dma_start3A_126 = arith.constant 0 : i32
    %dma_start3A_127 = tpu.memref_slice %arg4[%add3A_120, %dma_start3A_126] : memref<20480x128xf32, #tpu.memory_space<hbm>> -> memref<128x128xf32, #tpu.memory_space<hbm>>
    %dma_start3A_128 = arith.constant 0 : i32
    %dma_start3A_129 = arith.constant 0 : i32
    %dma_start3A_130 = tpu.memref_slice %arg6[%dma_start3A_128, %dma_start3A_129] : memref<640x128xf32, #tpu.memory_space<vmem>> -> memref<128x128xf32, #tpu.memory_space<vmem>>
    tpu.enqueue_dma source(%dma_start3A_130 : memref<128x128xf32, #tpu.memory_space<vmem>>) target(%dma_start3A_127 : memref<128x128xf32, #tpu.memory_space<hbm>>) target_semaphore(%arg9 : memref<!tpu.dma_semaphore, #tpu.memory_space<semaphore_mem>>)
    %dma_wait3A_131 = arith.constant 128 : i32
    %dma_wait3A_132 = arith.constant 0 : i32
    %dma_wait3A_133 = tpu.memref_slice %arg6[%dma_wait3A_131, %dma_wait3A_132] : memref<640x128xf32, #tpu.memory_space<vmem>> -> memref<128x128xf32, #tpu.memory_space<vmem>>
    %dma_wait3A_134 = arith.constant 128 : i32
    %dma_wait3A_135 = tpu.memref_slice %arg5[%dma_wait3A_134] : memref<640xi32, #tpu.memory_space<vmem>> -> memref<128xi32, #tpu.memory_space<vmem>>
    %dma_wait3A_136 = arith.constant 0 : i32
    %dma_wait3A_137 = arith.constant 0 : i32
    %dma_wait3A_138 = tpu.memref_slice %arg2[%dma_wait3A_136, %dma_wait3A_137] : memref<100000x128xf32, #tpu.memory_space<hbm>> -> memref<100000x128xf32, #tpu.memory_space<hbm>>
    tpu.wait_indirect_dma semaphore(%arg8 : memref<!tpu.dma_semaphore, #tpu.memory_space<semaphore_mem>>) src(%dma_wait3A_138 : memref<100000x128xf32, #tpu.memory_space<hbm>>) dst(%dma_wait3A_133 : memref<128x128xf32, #tpu.memory_space<vmem>>)
    %add3A_139 = arith.constant 4096 : i32
    %add3A_140 = arith.addi %add3A_139, %mul3A_2 : i32
    %dma_start3A_141 = arith.constant 128 : i32
    %dma_start3A_142 = arith.constant 0 : i32
    %dma_start3A_143 = tpu.memref_slice %arg6[%dma_start3A_141, %dma_start3A_142] : memref<640x128xf32, #tpu.memory_space<vmem>> -> memref<128x128xf32, #tpu.memory_space<vmem>>
    %dma_start3A_144 = arith.constant 0 : i32
    %dma_start3A_145 = tpu.memref_slice %arg4[%add3A_140, %dma_start3A_144] : memref<20480x128xf32, #tpu.memory_space<hbm>> -> memref<128x128xf32, #tpu.memory_space<hbm>>
    %dma_start3A_146 = arith.constant 0 : i32
    %dma_start3A_147 = tpu.memref_slice %arg4[%add3A_140, %dma_start3A_146] : memref<20480x128xf32, #tpu.memory_space<hbm>> -> memref<128x128xf32, #tpu.memory_space<hbm>>
    %dma_start3A_148 = arith.constant 128 : i32
    %dma_start3A_149 = arith.constant 0 : i32
    %dma_start3A_150 = tpu.memref_slice %arg6[%dma_start3A_148, %dma_start3A_149] : memref<640x128xf32, #tpu.memory_space<vmem>> -> memref<128x128xf32, #tpu.memory_space<vmem>>
    tpu.enqueue_dma source(%dma_start3A_150 : memref<128x128xf32, #tpu.memory_space<vmem>>) target(%dma_start3A_147 : memref<128x128xf32, #tpu.memory_space<hbm>>) target_semaphore(%arg9 : memref<!tpu.dma_semaphore, #tpu.memory_space<semaphore_mem>>)
    %dma_wait3A_151 = arith.constant 256 : i32
    %dma_wait3A_152 = arith.constant 0 : i32
    %dma_wait3A_153 = tpu.memref_slice %arg6[%dma_wait3A_151, %dma_wait3A_152] : memref<640x128xf32, #tpu.memory_space<vmem>> -> memref<128x128xf32, #tpu.memory_space<vmem>>
    %dma_wait3A_154 = arith.constant 256 : i32
    %dma_wait3A_155 = tpu.memref_slice %arg5[%dma_wait3A_154] : memref<640xi32, #tpu.memory_space<vmem>> -> memref<128xi32, #tpu.memory_space<vmem>>
    %dma_wait3A_156 = arith.constant 0 : i32
    %dma_wait3A_157 = arith.constant 0 : i32
    %dma_wait3A_158 = tpu.memref_slice %arg2[%dma_wait3A_156, %dma_wait3A_157] : memref<100000x128xf32, #tpu.memory_space<hbm>> -> memref<100000x128xf32, #tpu.memory_space<hbm>>
    tpu.wait_indirect_dma semaphore(%arg8 : memref<!tpu.dma_semaphore, #tpu.memory_space<semaphore_mem>>) src(%dma_wait3A_158 : memref<100000x128xf32, #tpu.memory_space<hbm>>) dst(%dma_wait3A_153 : memref<128x128xf32, #tpu.memory_space<vmem>>)
    %add3A_159 = arith.constant 8192 : i32
    %add3A_160 = arith.addi %add3A_159, %mul3A_2 : i32
    %dma_start3A_161 = arith.constant 256 : i32
    %dma_start3A_162 = arith.constant 0 : i32
    %dma_start3A_163 = tpu.memref_slice %arg6[%dma_start3A_161, %dma_start3A_162] : memref<640x128xf32, #tpu.memory_space<vmem>> -> memref<128x128xf32, #tpu.memory_space<vmem>>
    %dma_start3A_164 = arith.constant 0 : i32
    %dma_start3A_165 = tpu.memref_slice %arg4[%add3A_160, %dma_start3A_164] : memref<20480x128xf32, #tpu.memory_space<hbm>> -> memref<128x128xf32, #tpu.memory_space<hbm>>
    %dma_start3A_166 = arith.constant 0 : i32
    %dma_start3A_167 = tpu.memref_slice %arg4[%add3A_160, %dma_start3A_166] : memref<20480x128xf32, #tpu.memory_space<hbm>> -> memref<128x128xf32, #tpu.memory_space<hbm>>
    %dma_start3A_168 = arith.constant 256 : i32
    %dma_start3A_169 = arith.constant 0 : i32
    %dma_start3A_170 = tpu.memref_slice %arg6[%dma_start3A_168, %dma_start3A_169] : memref<640x128xf32, #tpu.memory_space<vmem>> -> memref<128x128xf32, #tpu.memory_space<vmem>>
    tpu.enqueue_dma source(%dma_start3A_170 : memref<128x128xf32, #tpu.memory_space<vmem>>) target(%dma_start3A_167 : memref<128x128xf32, #tpu.memory_space<hbm>>) target_semaphore(%arg9 : memref<!tpu.dma_semaphore, #tpu.memory_space<semaphore_mem>>)
    %dma_wait3A_171 = arith.constant 384 : i32
    %dma_wait3A_172 = arith.constant 0 : i32
    %dma_wait3A_173 = tpu.memref_slice %arg6[%dma_wait3A_171, %dma_wait3A_172] : memref<640x128xf32, #tpu.memory_space<vmem>> -> memref<128x128xf32, #tpu.memory_space<vmem>>
    %dma_wait3A_174 = arith.constant 384 : i32
    %dma_wait3A_175 = tpu.memref_slice %arg5[%dma_wait3A_174] : memref<640xi32, #tpu.memory_space<vmem>> -> memref<128xi32, #tpu.memory_space<vmem>>
    %dma_wait3A_176 = arith.constant 0 : i32
    %dma_wait3A_177 = arith.constant 0 : i32
    %dma_wait3A_178 = tpu.memref_slice %arg2[%dma_wait3A_176, %dma_wait3A_177] : memref<100000x128xf32, #tpu.memory_space<hbm>> -> memref<100000x128xf32, #tpu.memory_space<hbm>>
    tpu.wait_indirect_dma semaphore(%arg8 : memref<!tpu.dma_semaphore, #tpu.memory_space<semaphore_mem>>) src(%dma_wait3A_178 : memref<100000x128xf32, #tpu.memory_space<hbm>>) dst(%dma_wait3A_173 : memref<128x128xf32, #tpu.memory_space<vmem>>)
    %add3A_179 = arith.constant 12288 : i32
    %add3A_180 = arith.addi %add3A_179, %mul3A_2 : i32
    %dma_start3A_181 = arith.constant 384 : i32
    %dma_start3A_182 = arith.constant 0 : i32
    %dma_start3A_183 = tpu.memref_slice %arg6[%dma_start3A_181, %dma_start3A_182] : memref<640x128xf32, #tpu.memory_space<vmem>> -> memref<128x128xf32, #tpu.memory_space<vmem>>
    %dma_start3A_184 = arith.constant 0 : i32
    %dma_start3A_185 = tpu.memref_slice %arg4[%add3A_180, %dma_start3A_184] : memref<20480x128xf32, #tpu.memory_space<hbm>> -> memref<128x128xf32, #tpu.memory_space<hbm>>
    %dma_start3A_186 = arith.constant 0 : i32
    %dma_start3A_187 = tpu.memref_slice %arg4[%add3A_180, %dma_start3A_186] : memref<20480x128xf32, #tpu.memory_space<hbm>> -> memref<128x128xf32, #tpu.memory_space<hbm>>
    %dma_start3A_188 = arith.constant 384 : i32
    %dma_start3A_189 = arith.constant 0 : i32
    %dma_start3A_190 = tpu.memref_slice %arg6[%dma_start3A_188, %dma_start3A_189] : memref<640x128xf32, #tpu.memory_space<vmem>> -> memref<128x128xf32, #tpu.memory_space<vmem>>
    tpu.enqueue_dma source(%dma_start3A_190 : memref<128x128xf32, #tpu.memory_space<vmem>>) target(%dma_start3A_187 : memref<128x128xf32, #tpu.memory_space<hbm>>) target_semaphore(%arg9 : memref<!tpu.dma_semaphore, #tpu.memory_space<semaphore_mem>>)
    %dma_wait3A_191 = arith.constant 512 : i32
    %dma_wait3A_192 = arith.constant 0 : i32
    %dma_wait3A_193 = tpu.memref_slice %arg6[%dma_wait3A_191, %dma_wait3A_192] : memref<640x128xf32, #tpu.memory_space<vmem>> -> memref<128x128xf32, #tpu.memory_space<vmem>>
    %dma_wait3A_194 = arith.constant 512 : i32
    %dma_wait3A_195 = tpu.memref_slice %arg5[%dma_wait3A_194] : memref<640xi32, #tpu.memory_space<vmem>> -> memref<128xi32, #tpu.memory_space<vmem>>
    %dma_wait3A_196 = arith.constant 0 : i32
    %dma_wait3A_197 = arith.constant 0 : i32
    %dma_wait3A_198 = tpu.memref_slice %arg2[%dma_wait3A_196, %dma_wait3A_197] : memref<100000x128xf32, #tpu.memory_space<hbm>> -> memref<100000x128xf32, #tpu.memory_space<hbm>>
    tpu.wait_indirect_dma semaphore(%arg8 : memref<!tpu.dma_semaphore, #tpu.memory_space<semaphore_mem>>) src(%dma_wait3A_198 : memref<100000x128xf32, #tpu.memory_space<hbm>>) dst(%dma_wait3A_193 : memref<128x128xf32, #tpu.memory_space<vmem>>)
    %add3A_199 = arith.constant 16384 : i32
    %add3A_200 = arith.addi %add3A_199, %mul3A_2 : i32
    %dma_start3A_201 = arith.constant 512 : i32
    %dma_start3A_202 = arith.constant 0 : i32
    %dma_start3A_203 = tpu.memref_slice %arg6[%dma_start3A_201, %dma_start3A_202] : memref<640x128xf32, #tpu.memory_space<vmem>> -> memref<128x128xf32, #tpu.memory_space<vmem>>
    %dma_start3A_204 = arith.constant 0 : i32
    %dma_start3A_205 = tpu.memref_slice %arg4[%add3A_200, %dma_start3A_204] : memref<20480x128xf32, #tpu.memory_space<hbm>> -> memref<128x128xf32, #tpu.memory_space<hbm>>
    %dma_start3A_206 = arith.constant 0 : i32
    %dma_start3A_207 = tpu.memref_slice %arg4[%add3A_200, %dma_start3A_206] : memref<20480x128xf32, #tpu.memory_space<hbm>> -> memref<128x128xf32, #tpu.memory_space<hbm>>
    %dma_start3A_208 = arith.constant 512 : i32
    %dma_start3A_209 = arith.constant 0 : i32
    %dma_start3A_210 = tpu.memref_slice %arg6[%dma_start3A_208, %dma_start3A_209] : memref<640x128xf32, #tpu.memory_space<vmem>> -> memref<128x128xf32, #tpu.memory_space<vmem>>
    tpu.enqueue_dma source(%dma_start3A_210 : memref<128x128xf32, #tpu.memory_space<vmem>>) target(%dma_start3A_207 : memref<128x128xf32, #tpu.memory_space<hbm>>) target_semaphore(%arg9 : memref<!tpu.dma_semaphore, #tpu.memory_space<semaphore_mem>>)
    %dma_wait3A_211 = arith.constant 0 : i32
    %dma_wait3A_212 = arith.constant 0 : i32
    %dma_wait3A_213 = tpu.memref_slice %arg6[%dma_wait3A_211, %dma_wait3A_212] : memref<640x128xf32, #tpu.memory_space<vmem>> -> memref<128x128xf32, #tpu.memory_space<vmem>>
    %dma_wait3A_214 = arith.constant 0 : i32
    %dma_wait3A_215 = tpu.memref_slice %arg4[%add3A_120, %dma_wait3A_214] : memref<20480x128xf32, #tpu.memory_space<hbm>> -> memref<128x128xf32, #tpu.memory_space<hbm>>
    %dma_wait3A_216 = arith.constant 0 : i32
    %dma_wait3A_217 = tpu.memref_slice %arg4[%add3A_120, %dma_wait3A_216] : memref<20480x128xf32, #tpu.memory_space<hbm>> -> memref<128x128xf32, #tpu.memory_space<hbm>>
    %dma_wait3A_218 = arith.constant 0 : i32
    %dma_wait3A_219 = arith.constant 0 : i32
    %dma_wait3A_220 = tpu.memref_slice %arg6[%dma_wait3A_218, %dma_wait3A_219] : memref<640x128xf32, #tpu.memory_space<vmem>> -> memref<128x128xf32, #tpu.memory_space<vmem>>
    tpu.wait_dma2 semaphore(%arg9 : memref<!tpu.dma_semaphore, #tpu.memory_space<semaphore_mem>>) src(%dma_wait3A_220 : memref<128x128xf32, #tpu.memory_space<vmem>>) dst(%dma_wait3A_217 : memref<128x128xf32, #tpu.memory_space<hbm>>)
    %dma_wait3A_221 = arith.constant 128 : i32
    %dma_wait3A_222 = arith.constant 0 : i32
    %dma_wait3A_223 = tpu.memref_slice %arg6[%dma_wait3A_221, %dma_wait3A_222] : memref<640x128xf32, #tpu.memory_space<vmem>> -> memref<128x128xf32, #tpu.memory_space<vmem>>
    %dma_wait3A_224 = arith.constant 0 : i32
    %dma_wait3A_225 = tpu.memref_slice %arg4[%add3A_140, %dma_wait3A_224] : memref<20480x128xf32, #tpu.memory_space<hbm>> -> memref<128x128xf32, #tpu.memory_space<hbm>>
    %dma_wait3A_226 = arith.constant 0 : i32
    %dma_wait3A_227 = tpu.memref_slice %arg4[%add3A_140, %dma_wait3A_226] : memref<20480x128xf32, #tpu.memory_space<hbm>> -> memref<128x128xf32, #tpu.memory_space<hbm>>
    %dma_wait3A_228 = arith.constant 128 : i32
    %dma_wait3A_229 = arith.constant 0 : i32
    %dma_wait3A_230 = tpu.memref_slice %arg6[%dma_wait3A_228, %dma_wait3A_229] : memref<640x128xf32, #tpu.memory_space<vmem>> -> memref<128x128xf32, #tpu.memory_space<vmem>>
    tpu.wait_dma2 semaphore(%arg9 : memref<!tpu.dma_semaphore, #tpu.memory_space<semaphore_mem>>) src(%dma_wait3A_230 : memref<128x128xf32, #tpu.memory_space<vmem>>) dst(%dma_wait3A_227 : memref<128x128xf32, #tpu.memory_space<hbm>>)
    %dma_wait3A_231 = arith.constant 256 : i32
    %dma_wait3A_232 = arith.constant 0 : i32
    %dma_wait3A_233 = tpu.memref_slice %arg6[%dma_wait3A_231, %dma_wait3A_232] : memref<640x128xf32, #tpu.memory_space<vmem>> -> memref<128x128xf32, #tpu.memory_space<vmem>>
    %dma_wait3A_234 = arith.constant 0 : i32
    %dma_wait3A_235 = tpu.memref_slice %arg4[%add3A_160, %dma_wait3A_234] : memref<20480x128xf32, #tpu.memory_space<hbm>> -> memref<128x128xf32, #tpu.memory_space<hbm>>
    %dma_wait3A_236 = arith.constant 0 : i32
    %dma_wait3A_237 = tpu.memref_slice %arg4[%add3A_160, %dma_wait3A_236] : memref<20480x128xf32, #tpu.memory_space<hbm>> -> memref<128x128xf32, #tpu.memory_space<hbm>>
    %dma_wait3A_238 = arith.constant 256 : i32
    %dma_wait3A_239 = arith.constant 0 : i32
    %dma_wait3A_240 = tpu.memref_slice %arg6[%dma_wait3A_238, %dma_wait3A_239] : memref<640x128xf32, #tpu.memory_space<vmem>> -> memref<128x128xf32, #tpu.memory_space<vmem>>
    tpu.wait_dma2 semaphore(%arg9 : memref<!tpu.dma_semaphore, #tpu.memory_space<semaphore_mem>>) src(%dma_wait3A_240 : memref<128x128xf32, #tpu.memory_space<vmem>>) dst(%dma_wait3A_237 : memref<128x128xf32, #tpu.memory_space<hbm>>)
    %dma_wait3A_241 = arith.constant 384 : i32
    %dma_wait3A_242 = arith.constant 0 : i32
    %dma_wait3A_243 = tpu.memref_slice %arg6[%dma_wait3A_241, %dma_wait3A_242] : memref<640x128xf32, #tpu.memory_space<vmem>> -> memref<128x128xf32, #tpu.memory_space<vmem>>
    %dma_wait3A_244 = arith.constant 0 : i32
    %dma_wait3A_245 = tpu.memref_slice %arg4[%add3A_180, %dma_wait3A_244] : memref<20480x128xf32, #tpu.memory_space<hbm>> -> memref<128x128xf32, #tpu.memory_space<hbm>>
    %dma_wait3A_246 = arith.constant 0 : i32
    %dma_wait3A_247 = tpu.memref_slice %arg4[%add3A_180, %dma_wait3A_246] : memref<20480x128xf32, #tpu.memory_space<hbm>> -> memref<128x128xf32, #tpu.memory_space<hbm>>
    %dma_wait3A_248 = arith.constant 384 : i32
    %dma_wait3A_249 = arith.constant 0 : i32
    %dma_wait3A_250 = tpu.memref_slice %arg6[%dma_wait3A_248, %dma_wait3A_249] : memref<640x128xf32, #tpu.memory_space<vmem>> -> memref<128x128xf32, #tpu.memory_space<vmem>>
    tpu.wait_dma2 semaphore(%arg9 : memref<!tpu.dma_semaphore, #tpu.memory_space<semaphore_mem>>) src(%dma_wait3A_250 : memref<128x128xf32, #tpu.memory_space<vmem>>) dst(%dma_wait3A_247 : memref<128x128xf32, #tpu.memory_space<hbm>>)
    %dma_wait3A_251 = arith.constant 512 : i32
    %dma_wait3A_252 = arith.constant 0 : i32
    %dma_wait3A_253 = tpu.memref_slice %arg6[%dma_wait3A_251, %dma_wait3A_252] : memref<640x128xf32, #tpu.memory_space<vmem>> -> memref<128x128xf32, #tpu.memory_space<vmem>>
    %dma_wait3A_254 = arith.constant 0 : i32
    %dma_wait3A_255 = tpu.memref_slice %arg4[%add3A_200, %dma_wait3A_254] : memref<20480x128xf32, #tpu.memory_space<hbm>> -> memref<128x128xf32, #tpu.memory_space<hbm>>
    %dma_wait3A_256 = arith.constant 0 : i32
    %dma_wait3A_257 = tpu.memref_slice %arg4[%add3A_200, %dma_wait3A_256] : memref<20480x128xf32, #tpu.memory_space<hbm>> -> memref<128x128xf32, #tpu.memory_space<hbm>>
    %dma_wait3A_258 = arith.constant 512 : i32
    %dma_wait3A_259 = arith.constant 0 : i32
    %dma_wait3A_260 = tpu.memref_slice %arg6[%dma_wait3A_258, %dma_wait3A_259] : memref<640x128xf32, #tpu.memory_space<vmem>> -> memref<128x128xf32, #tpu.memory_space<vmem>>
    tpu.wait_dma2 semaphore(%arg9 : memref<!tpu.dma_semaphore, #tpu.memory_space<semaphore_mem>>) src(%dma_wait3A_260 : memref<128x128xf32, #tpu.memory_space<vmem>>) dst(%dma_wait3A_257 : memref<128x128xf32, #tpu.memory_space<hbm>>)
    return
  }
}

module attributes {stable_mosaic.version = 14 : i64} {
  func.func @_mlp_body(%arg0: i32, %arg1: memref<5x512x128xf32, #tpu.memory_space<vmem>>, %arg2: memref<640x1024xbf16, #tpu.memory_space<vmem>>, %arg3: memref<1x1024xf32, #tpu.memory_space<vmem>>, %arg4: memref<1000x1024xbf16, #tpu.memory_space<vmem>>, %arg5: memref<1000x1xf32, #tpu.memory_space<vmem>>, %arg6: memref<1000x512xf32, #tpu.memory_space<vmem>>) attributes {dimension_semantics = [#tpu.dimension_semantics<parallel>], iteration_bounds = array<i64: 8>, scalar_prefetch = 0 : i64, scratch_operands = 0 : i64, tpu.core_type = #tpu.core_type<tc>, window_params = [{transform_indices = @transform_0, window_bounds = array<i64: 5, 512, 128>}, {pipeline_mode = #tpu.pipeline_mode<synchronous>, transform_indices = @transform_1, window_bounds = array<i64: 640, 1024>}, {pipeline_mode = #tpu.pipeline_mode<synchronous>, transform_indices = @transform_2, window_bounds = array<i64: 1, 1024>}, {pipeline_mode = #tpu.pipeline_mode<synchronous>, transform_indices = @transform_3, window_bounds = array<i64: 1000, 1024>}, {pipeline_mode = #tpu.pipeline_mode<synchronous>, transform_indices = @transform_4, window_bounds = array<i64: 1000, 1>}, {transform_indices = @transform_5, window_bounds = array<i64: 1000, 512>}]} {
    %get3A = arith.constant 0 : index
    %get3A_0 = arith.constant 0 : index
    %get3A_1 = arith.constant 0 : index
    %get3A_2 = vector.load %arg1[%get3A, %get3A_0, %get3A_1] : memref<5x512x128xf32, #tpu.memory_space<vmem>>, vector<5x512x128xf32>
    %convert_element_type3A = arith.truncf %get3A_2 : vector<5x512x128xf32> to vector<5x512x128xbf16>
    %slice3A = vector.extract_strided_slice %convert_element_type3A {offsets = [0, 0, 0], sizes = [1, 512, 128], strides = [1, 1, 1]} : vector<5x512x128xbf16> to vector<1x512x128xbf16>
    %squeeze3A = vector.shape_cast %slice3A : vector<1x512x128xbf16> to vector<512x128xbf16>
    %slice3A_3 = vector.extract_strided_slice %convert_element_type3A {offsets = [1, 0, 0], sizes = [1, 512, 128], strides = [1, 1, 1]} : vector<5x512x128xbf16> to vector<1x512x128xbf16>
    %squeeze3A_4 = vector.shape_cast %slice3A_3 : vector<1x512x128xbf16> to vector<512x128xbf16>
    %slice3A_5 = vector.extract_strided_slice %convert_element_type3A {offsets = [2, 0, 0], sizes = [1, 512, 128], strides = [1, 1, 1]} : vector<5x512x128xbf16> to vector<1x512x128xbf16>
    %squeeze3A_6 = vector.shape_cast %slice3A_5 : vector<1x512x128xbf16> to vector<512x128xbf16>
    %slice3A_7 = vector.extract_strided_slice %convert_element_type3A {offsets = [3, 0, 0], sizes = [1, 512, 128], strides = [1, 1, 1]} : vector<5x512x128xbf16> to vector<1x512x128xbf16>
    %squeeze3A_8 = vector.shape_cast %slice3A_7 : vector<1x512x128xbf16> to vector<512x128xbf16>
    %slice3A_9 = vector.extract_strided_slice %convert_element_type3A {offsets = [4, 0, 0], sizes = [1, 512, 128], strides = [1, 1, 1]} : vector<5x512x128xbf16> to vector<1x512x128xbf16>
    %squeeze3A_10 = vector.shape_cast %slice3A_9 : vector<1x512x128xbf16> to vector<512x128xbf16>
    %concatenate3A = tpu.concatenate %squeeze3A, %squeeze3A_4, %squeeze3A_6, %squeeze3A_8, %squeeze3A_10 in 1 : vector<512x128xbf16>, vector<512x128xbf16>, vector<512x128xbf16>, vector<512x128xbf16>, vector<512x128xbf16> -> vector<512x640xbf16>
    %get3A_11 = arith.constant 0 : index
    %get3A_12 = arith.constant 0 : index
    %get3A_13 = vector.load %arg2[%get3A_11, %get3A_12] : memref<640x1024xbf16, #tpu.memory_space<vmem>>, vector<640x1024xbf16>
    %dot_general3A = arith.constant dense<0.000000e+00> : vector<512x1024xf32>
    %dot_general3A_14 = tpu.matmul %concatenate3A, %get3A_13, %dot_general3A {dimension_numbers = #tpu.dot_dimension_numbers<[1], [0], [0], [1], [0, 0, 1, 1], [], []>, transpose_lhs_hint = false} : vector<512x640xbf16>, vector<640x1024xbf16>, vector<512x1024xf32> -> vector<512x1024xf32>
    %get3A_15 = arith.constant 0 : index
    %get3A_16 = arith.constant 0 : index
    %get3A_17 = vector.load %arg3[%get3A_15, %get3A_16] : memref<1x1024xf32, #tpu.memory_space<vmem>>, vector<1x1024xf32>
    %add3A = vector.broadcast %get3A_17 : vector<1x1024xf32> to vector<512x1024xf32>
    %add3A_18 = arith.addf %dot_general3A_14, %add3A : vector<512x1024xf32>
    %max3A = arith.constant 0.000000e+00 : f32
    %max3A_19 = vector.broadcast %max3A : f32 to vector<512x1024xf32>
    %max3A_20 = arith.maximumf %add3A_18, %max3A_19 : vector<512x1024xf32>
    %convert_element_type3A_21 = arith.truncf %max3A_20 : vector<512x1024xf32> to vector<512x1024xbf16>
    %get3A_22 = arith.constant 0 : index
    %get3A_23 = arith.constant 0 : index
    %get3A_24 = vector.load %arg4[%get3A_22, %get3A_23] : memref<1000x1024xbf16, #tpu.memory_space<vmem>>, vector<1000x1024xbf16>
    %dot_general3A_25 = arith.constant dense<0.000000e+00> : vector<1000x512xf32>
    %dot_general3A_26 = tpu.matmul %get3A_24, %convert_element_type3A_21, %dot_general3A_25 {dimension_numbers = #tpu.dot_dimension_numbers<[1], [1], [0], [0], [0, 0, 1, 0], [], []>, transpose_lhs_hint = false} : vector<1000x1024xbf16>, vector<512x1024xbf16>, vector<1000x512xf32> -> vector<1000x512xf32>
    %get3A_27 = arith.constant 0 : index
    %get3A_28 = arith.constant 0 : index
    %get3A_29 = vector.load %arg5[%get3A_27, %get3A_28] : memref<1000x1xf32, #tpu.memory_space<vmem>>, vector<1000x1xf32>
    %add3A_30 = vector.broadcast %get3A_29 : vector<1000x1xf32> to vector<1000x512xf32>
    %add3A_31 = arith.addf %dot_general3A_26, %add3A_30 : vector<1000x512xf32>
    %swap3A = arith.constant 0 : index
    %swap3A_32 = arith.constant 0 : index
    %swap3A_33 = vector.load %arg6[%swap3A, %swap3A_32] : memref<1000x512xf32, #tpu.memory_space<vmem>>, vector<1000x512xf32>
    tpu.vector_store %arg6[%swap3A, %swap3A_32], %add3A_31 {strides = array<i32>} : memref<1000x512xf32, #tpu.memory_space<vmem>>, vector<1000x512xf32>,
    return
  }
  func.func @transform_0(%arg0: i32) -> (i32, i32, i32) {
    %c0_i32 = arith.constant 0 : i32
    %c0_i32_0 = arith.constant 0 : i32
    %c0_i32_1 = arith.constant 0 : i32
    return %c0_i32, %arg0, %c0_i32_0 : i32, i32, i32
  }
  func.func @transform_1(%arg0: i32) -> (i32, i32) {
    %c0_i32 = arith.constant 0 : i32
    %c0_i32_0 = arith.constant 0 : i32
    %c0_i32_1 = arith.constant 0 : i32
    return %c0_i32, %c0_i32_0 : i32, i32
  }
  func.func @transform_2(%arg0: i32) -> (i32, i32) {
    %c0_i32 = arith.constant 0 : i32
    %c0_i32_0 = arith.constant 0 : i32
    %c0_i32_1 = arith.constant 0 : i32
    return %c0_i32, %c0_i32_0 : i32, i32
  }
  func.func @transform_3(%arg0: i32) -> (i32, i32) {
    %c0_i32 = arith.constant 0 : i32
    %c0_i32_0 = arith.constant 0 : i32
    %c0_i32_1 = arith.constant 0 : i32
    return %c0_i32, %c0_i32_0 : i32, i32
  }
  func.func @transform_4(%arg0: i32) -> (i32, i32) {
    %c0_i32 = arith.constant 0 : i32
    %c0_i32_0 = arith.constant 0 : i32
    %c0_i32_1 = arith.constant 0 : i32
    return %c0_i32, %c0_i32_0 : i32, i32
  }
  func.func @transform_5(%arg0: i32) -> (i32, i32) {
    %c0_i32 = arith.constant 0 : i32
    %c0_i32_0 = arith.constant 0 : i32
    return %c0_i32, %arg0 : i32, i32
  }
}

</mosaic_0001>

<sc_bundles>
// kernel: kernel.4.cloned.1.call-start
scs
__scs_entry_jumppad:
0x0: {  	(pc) =	sbr.rel $0x88, $3  }
0x1: {  	(tag) =	ssettag $0x0;
	lr =	simm.s32 $0x1  }
0x2: {  	[smem:$0x3F9B] =	sst lr;
	_ =	strace $0xD0000000  }
0x3: {  	_ = 	snop  }
0x4: {  	_ = 	snop  }
0x5: {  	_ = 	snop  }
0x6: {  	_ = 	snop  }
0x7: {  	_ = 	snop  }
__scs_overlays_trampoline_lowered:
0x8: {  	[smem:$0x3FAA] =	sst s0  }
0x9: {  	[smem:$0x3FAB] =	sst s1  }
0xa: {  	[smem:$0x3FAC] =	sst s2  }
0xb: {  	[smem:$0x3FAD] =	sst s3  }
0xc: {  	[smem:$0x3FAE] =	sst s4  }
0xd: {  	[smem:$0x3FAF] =	sst s5  }
0xe: {  	[smem:$0x3FB0] =	sst s6  }
0xf: {  	[smem:$0x3FB1] =	sst s7  }
0x10: {  	[smem:$0x3FB2] =	sst s8  }
0x11: {  	[smem:$0x3FB3] =	sst s9;
	s0 =	simm.s32 @!p0 $0x0  }
0x12: {  	s1 =	sld [smem:$0x3F99];
	s0 =	simm.s32 @p0 $0x1  }
0x13: {  	[smem:$0x3FB4] =	sst s0;
	s0 =	simm.s32 @!p1 $0x0  }
0x14: {  	s2 =	sld [smem:$0x3F98];
	s0 =	simm.s32 @p1 $0x1  }
0x15: {  	[smem:$0x3FB5] =	sst s0;
	s0 =	simm.s32 @!p2 $0x0  }
0x16: {  	s3 =	sld [smem:$0x3FDB];
	s0 =	simm.s32 @p2 $0x1  }
0x17: {  	s4 =	simm.s32 $0x1BF5;
	[smem:$0x3FB7] =	sst s0  }
0x18: {  	s0 =	sld [smem:$0x3F9A];
	_ =	swait.ge [sflag:s4], $0x0  }
0x19: {  	s7 =	sld [smem:$0x3F9B]  }
0x1a: {  	s8 =	sadd.s32 $0xFFFFE003, lr  }
0x1b: {  	s9 =	sadd.s32 $0xFFFFFEF7, lr;
	s5 =	simm.s32 $0xFFFFFFFF;
	p2 =	slt.u32 s8, $0xFFFFF086  }
0x1c: {  	p1 =	slt.u32 s9, $0xF7A;
	s5 =	simm.s32 @!p2 $0x0  }
0x1d: {  	s5 =	simm.s32 @p1 $0x1;
	p0 =	seq.s32 s7, s2  }
0x1e: {  	s7 =	smul.u32 @!p0 $0xF7A, s2;
	p2 =	seq.s32 @!p0 s5, $0x0  }
0x1f: {  	s9 =	smul.u32 $0xF7A, s1;
	s8 =	simm.s32 @!p0 $0x1BF5;
	p2 =	por !p2, p0  }
0x20: {  	[sflag:s8] =	ssyncset.s32 @!p0 $0xFFFFF086;
	s6 =	sadd.s32 @!p0 s3, s7;
	s7 =	simm.s32 @!p0 $0x108  }
0x21: {  	s3 =	sadd.s32 s3, s9;
	s6 =	sadd.s32 @!p0 $0x88, s6;
	s7 =	simm.s32 @p2 $0x1082  }
0x22: {  	[simem:s7], [sflag:s8] =	dma.local @!p0 [hbm:s6], $0xF7A  }
0x23: {  	s9 =	sor.u32 $0xD0000000, s2;
	s6 =	simm.s32 $0x108;
	_ =	swait.ge @!p0 [sflag:s8], $0x0  }
0x24: {  	s3 =	sadd.s32 $0x88, s3;
	s6 =	simm.s32 @!p1 $0x1082;
	[sflag:s4] =	ssyncset.s32 $0xFFFFF086  }
0x25: {  	[simem:s6], [sflag:s4] =	dma.local [hbm:s3], $0xF7A  }
0x26: {  	[smem:$0x3F9B] =	sst s1;
	(tag) =	ssettag s2;
	_ =	strace s9  }
0x27: {  	s1 =	sld [smem:$0x3FAB]  }
0x28: {  	s2 =	sld [smem:$0x3FAC]  }
0x29: {  	s4 =	sld [smem:$0x3FAE]  }
0x2a: {  	p0 =	seq.s32 s5, $0x0;
	s5 =	sld [smem:$0x3FAF]  }
0x2b: {  	s6 =	sld [smem:$0x3FB0]  }
0x2c: {  	s7 =	sld [smem:$0x3FB1]  }
0x2d: {  	s3 =	simm.s32 $0x108;
	s8 =	sld [smem:$0x3FB2]  }
0x2e: {  	s3 =	simm.s32 @!p0 $0x1082;
	s9 =	sld [smem:$0x3FB3]  }
0x2f: {  	lr =	sadd.s32 s0, s3;
	s0 =	sld [smem:$0x3FAA]  }
0x30: {  	s3 =	sld [smem:$0x3FAD]  }
0x31: {  	[smem:$0x3FB6] =	sst s10  }
0x32: {  	s10 =	sld [smem:$0x3FB4];
	_ =	sdelay $0x3  }
0x33: {  	p0 =	seq.s32 s10, $0x1;
	s10 =	sld [smem:$0x3FB6];
	_ =	sdelay $0x3  }
0x34: {  	[smem:$0x3FB6] =	sst s10  }
0x35: {  	s10 =	sld [smem:$0x3FB5];
	_ =	sdelay $0x3  }
0x36: {  	p1 =	seq.s32 s10, $0x1;
	s10 =	sld [smem:$0x3FB6];
	_ =	sdelay $0x3  }
0x37: {  	[smem:$0x3FB6] =	sst s10  }
0x38: {  	s10 =	sld [smem:$0x3FB7]  }
0x39: {  	_ = 	snop;
	(pc) =	sbr.ind lr, $3  }
0x3a: {  	_ = 	snop  }
0x3b: {  	_ = 	snop  }
0x3c: {  	p2 =	seq.s32 s10, $0x1;
	s10 =	sld [smem:$0x3FB6]  }
0x3d: {  	_ =	shalt  }
0x3e: {  	_ =	shalt  }
0x3f: {  	_ =	shalt  }
0x40: {  	_ =	shalt  }
0x41: {  	_ =	shalt  }
0x42: {  	_ =	shalt  }
0x43: {  	_ =	shalt  }
0x44: {  	_ =	shalt  }
0x45: {  	_ =	shalt  }
0x46: {  	_ =	shalt  }
0x47: {  	_ =	shalt  }
0x48: {  	_ =	shalt  }
0x49: {  	_ =	shalt  }
0x4a: {  	_ =	shalt  }
0x4b: {  	_ =	shalt  }
0x4c: {  	_ =	shalt  }
0x4d: {  	_ =	shalt  }
0x4e: {  	_ =	shalt  }
0x4f: {  	_ =	shalt  }
0x50: {  	_ =	shalt  }
0x51: {  	_ =	shalt  }
0x52: {  	_ =	shalt  }
0x53: {  	_ =	shalt  }
0x54: {  	_ =	shalt  }
0x55: {  	_ =	shalt  }
0x56: {  	_ =	shalt  }
0x57: {  	_ =	shalt  }
0x58: {  	_ =	shalt  }
0x59: {  	_ =	shalt  }
0x5a: {  	_ =	shalt  }
0x5b: {  	_ =	shalt  }
0x5c: {  	_ =	shalt  }
0x5d: {  	_ =	shalt  }
0x5e: {  	_ =	shalt  }
0x5f: {  	_ =	shalt  }
0x60: {  	_ =	shalt  }
0x61: {  	_ =	shalt  }
0x62: {  	_ =	shalt  }
0x63: {  	_ =	shalt  }
0x64: {  	_ =	shalt  }
0x65: {  	_ =	shalt  }
0x66: {  	_ =	shalt  }
0x67: {  	_ =	shalt  }
0x68: {  	_ =	shalt  }
0x69: {  	_ =	shalt  }
0x6a: {  	_ =	shalt  }
0x6b: {  	_ =	shalt  }
0x6c: {  	_ =	shalt  }
0x6d: {  	_ =	shalt  }
0x6e: {  	_ =	shalt  }
0x6f: {  	_ =	shalt  }
0x70: {  	_ =	shalt  }
0x71: {  	_ =	shalt  }
0x72: {  	_ =	shalt  }
0x73: {  	_ =	shalt  }
0x74: {  	_ =	shalt  }
0x75: {  	_ =	shalt  }
0x76: {  	_ =	shalt  }
0x77: {  	_ =	shalt  }
0x78: {  	_ =	shalt  }
0x79: {  	_ =	shalt  }
0x7a: {  	_ =	shalt  }
0x7b: {  	_ =	shalt  }
0x7c: {  	_ =	shalt  }
0x7d: {  	_ =	shalt  }
0x7e: {  	_ =	shalt  }
0x7f: {  	_ =	shalt  }
0x80: {  	_ =	shalt  }
0x81: {  	_ =	shalt  }
0x82: {  	_ =	shalt  }
0x83: {  	_ =	shalt  }
0x84: {  	_ =	shalt  }
0x85: {  	_ =	shalt  }
0x86: {  	_ =	shalt  }
0x87: {  	_ =	shalt  }
.Lfunc_end0:
.L_simem_size_0:
called_computation_lowered:
.L_overlay_start_0:
0x88: {  	s2 =	sld [smem:$0x3FD9]  }
0x89: {  	s3 =	sld [smem:$0x3FFE];
	_ =	sdelay $0x1  }
0x8a: {  	s1 =	srdreg.scid  }
0x8b: {  	s0 =	sand.u32 $0x1, s1  }
0x8c: {  	s17 =	sshll.u32 s0, $0xA;
	s2 =	sadd.s32 s3, s2  }
0x8d: {  	s2 =	sadd.s32 s2, s17  }
0x8e: {  	[smem:$0x3FC2] =	sst s2  }
0x8f: {  	_ = 	snop  }
0x90: {  	s2 =	sld [smem:$0x3FC8]  }
0x91: {  	s18 =	sld [smem:$0x3FD0];
	(tm) =	ssettm $0x1  }
0x92: {  	s4 =	sld [smem:$0x3FFB];
	_ =	sdelay $0x3  }
0x93: {  	_ =	strace s4  }
0x94: {  	s4 =	sld [smem:$0x3FFC];
	_ =	sdelay $0x3  }
0x95: {  	_ =	strace s4  }
0x96: {  	s4 =	sld [smem:$0x3FFD];
	_ =	sdelay $0x3  }
0x97: {  	_ =	strace s4  }
0x98: {  	_ =	strace $0x8FFFFFFF  }
0x99: {  	s19 =	sld [smem:$0x3FDB];
	_ =	sdelay $0x1  }
0x9a: {  	s5 =	simm.s32 $_scs_section_size  }
0x9b: {  	s6 =	simm.s32 $_size__tile_overlayer_lowered;
	s7 =	simm.s32 $_tile_overlayer_lowered  }
0x9c: {  	s22 =	simm.s32 $0x1BFF;
	s21 =	sshll.u32 s7, $0x1;
	s4 =	sadd.s32 s5, s19  }
0x9d: {  	s8 =	simm.s32 $0x0;
	s20 =	sshll.u32 s6, $0x1;
	s6 =	sadd.s32 s21, s4  }
0x9e: {  	[timem:s8], [sflag:s22] =	dma.local [hbm:s6], s20  }
0x9f: {  	_ =	swait.ge [sflag:s22], s20  }
0xa0: {  	s5 =	ssub.s32 $0x0, s20;
	[sflag:s22] =	ssyncset.done $0x0  }
0xa1: {  	[sflag:s22] =	ssyncadd.s32 s5;
	_ =	sdelay $0x1  }
0xa2: {  	s23 =	simm.s32 $0x1B8B  }
0xa3: {  	_ =	swait.ge [sflag:s23], $0x1  }
0xa4: {  	[sflag:s23] =	ssyncset.done $0x0  }
0xa5: {  	s25 =	simm.s32 $0x1B8E;
	s24 =	sld [smem:$0x3FFE];
	[sflag:s23] =	ssyncadd.s32 $0xFFFFFFFF  }
0xa6: {  	s26 =	simm.s32 $execute0_lowered;
	[smem:$0x3FD2] =	sst s25  }
0xa7: {  	s6 =	sshll.u32 s26, $0x1;
	_ =	strace $0x80000046;
	[dreg:$0x1] =	wrdreg $0xFFFFFFFF  }
0xa8: {  	s28 =	simm.s32 $_size_execute0_lowered;
	s4 =	sadd.s32 s4, s6;
	[dreg:$0x0] =	wrdreg $0x0  }
0xa9: {  	s6 =	sshll.u32 s28, $0x1;
	[dreg:$0x2] =	wrdreg s4  }
0xaa: {  	[dreg:$0x3] =	wrdreg s6  }
0xab: {  	[dreg:$0x4] =	wrdreg $0xC0  }
0xac: {  	_ =	task [dreg:s8], $0x5FFFF  }
0xad: {  	[dreg:$0x1] =	wrdreg $0xFFFFFFFF  }
0xae: {  	[dreg:$0x0] =	wrdreg $0x60  }
0xaf: {  	[dreg:$0x2] =	wrdreg s2  }
0xb0: {  	[dreg:$0x3] =	wrdreg s24  }
0xb1: {  	[dreg:$0x4] =	wrdreg s18  }
0xb2: {  	[dreg:$0x5] =	wrdreg $0x9  }
0xb3: {  	_ =	task.clear_ibuf [dreg:s8], $0x6FFFF;
	_ =	strace $0x90000046  }
0xb4: {  	s29 =	simm.s32 $0x9;
	_ =	strace $0x80000048  }
0xb5: {  	_ =	swait.ge [sflag:s29], $0x1  }
0xb6: {  	[sflag:s29] =	ssyncadd.s32 $0xFFFFFFFF  }
0xb7: {  	_ =	strace $0x90000048  }
0xb8: {  	_ =	sfence  }
0xb9: {  	s30 =	sld [smem:$0x0];
	_ =	sdelay $0x2  }
0xba: {  	s31 =	sshll.u32 s1, $0xD;
	s1 =	sshrl.u32 s1, $0x2  }
0xbb: {  	s3 =	sand.u32 $0x4000, s31;
	s1 =	sadd.s32 s1, s30  }
0xbc: {  	s0 =	sor.u32 s3, s0;
	s1 =	sshll.u32 s1, $0x11  }
0xbd: {  	s0 =	sor.u32 s1, s0  }
0xbe: {  	s0 =	sadd.s32 $0x8F2B, s0  }
0xbf: {  	[sflag:s0] =	ssyncadd.remote.s32 $0x1  }
0xc0: {  	_ =	sfence.sel $0xFFFF  }
0xc1: {  	[dreg:$0x0] =	wrdreg $0xFFFFFFFF;
	(pc) =	sbr.abs _section_cstart, $3  }
0xc2: {  	[dreg:$0x1] =	wrdreg $0xFFFFFFFF  }
0xc3: {  	_ =	task.clear_ibuf [dreg:s8], $0x2FFFF;
	_ =	strace $0x9FFFFFFF  }
0xc4: {  	(tm) =	ssettm $0x7FFFFFFF  }
0xc5: {  	_ =	shalt  }
tec
execute0_lowered:
.L_overlay_start_1:
0x0: {  	(tag) =	ssettag $0x1  }
0x1: {  	s2 =	rddreg [dreg:$0x0]  }
0x2: {  	s4 =	rddreg [dreg:$0x1]  }
0x3: {  	s24 =	rddreg [dreg:$0x2];
	s3 =	srdreg.scid  }
0x4: {  	s0 =	rddreg [dreg:$0x3];
	s1 =	stileid.u32  }
0x5: {  	s7 =	simm.s32 $0x80;
	s8 =	simm.s32 $0x100;
	s26 =	sand.u32 $0x1, s3  }
0x6: {  	s3 =	simm.s32 $0x0;
	s5 =	sshll.u32 s1, $0x8;
	s6 =	sshll.u32 s26, $0x7  }
0x7: {  	s11 =	sadd.s32 $0xE00, s4;
	[smem:$0x7FF] =	sst s3;
	s20 =	sor.u32 s6, s5  }
0x8: {  	_ =	strace $0x80000047;
	s21 =	sor.u32 $0x1000, s20;
	s29 =	sshrl.u32 s20, $0x3  }
0x9: {  	s22 =	sor.u32 $0x2000, s20;
	s30 =	sshrl.u32 s21, $0x3;
	s4 =	sadd.s32 s11, s29  }
0xa: {  	[tilespmem:s3], [sflag:$0x1] =	stream.linear.gather [hbm4b:s4+s3], $0x80, $0x38;
	[tilespmem:$0x14280] =	vst v63  }
0xb: {  	s23 =	sor.u32 $0x3000, s20;
	s31 =	sshrl.u32 s22, $0x3;
	s5 =	sadd.s32 s11, s30  }
0xc: {  	[tilespmem:s7], [sflag:$0x1] =	stream.linear.gather [hbm4b:s5+s3], $0x80, $0x38;
	[tilespmem:$0x14280] =	vst v63  }
0xd: {  	s25 =	sor.u32 $0x4000, s20;
	s9 =	sshrl.u32 s23, $0x3;
	s6 =	sadd.s32 s11, s31  }
0xe: {  	[tilespmem:s8], [sflag:$0x1] =	stream.linear.gather [hbm4b:s6+s3], $0x80, $0x38;
	[tilespmem:$0x14280] =	vst v63  }
0xf: {  	s10 =	simm.s32 $0x180;
	s12 =	sshrl.u32 s25, $0x3;
	s9 =	sadd.s32 s11, s9  }
0x10: {  	[tilespmem:s10], [sflag:$0x1] =	stream.linear.gather [hbm4b:s9+s3], $0x80, $0x38;
	[tilespmem:$0x14280] =	vst v63  }
0x11: {  	s13 =	simm.s32 $0x1;
	s11 =	sadd.s32 s11, s12;
	s12 =	simm.s32 $0x200  }
0x12: {  	[tilespmem:s12], [sflag:$0x1] =	stream.linear.gather [hbm4b:s11+s3], $0x80, $0x38;
	[tilespmem:$0x14280] =	vst v63  }
0x13: {  	_ =	swait.ge [sflag:s13], $0x80  }
0x14: {  	[sflag:s13] =	ssyncset.done $0x0  }
0x15: {  	s14 =	simm.s32 $0x280;
	[sflag:s13] =	ssyncadd.s32 $0xFFFFFF80  }
0x16: {  	[tilespmem:s14], [sflag:$0x2] =	stream.indirect.gather [hbm4b:s2+s7], $0x80, s3, s7, $0xb8;
	[tilespmem:$0x14280] =	vst v63  }
0x17: {  	_ =	swait.ge [sflag:s13], $0x80  }
0x18: {  	[sflag:s13] =	ssyncset.done $0x0  }
0x19: {  	s15 =	simm.s32 $0x4280;
	[sflag:s13] =	ssyncadd.s32 $0xFFFFFF80  }
0x1a: {  	[tilespmem:s15], [sflag:$0x2] =	stream.indirect.gather [hbm4b:s2+s7], $0x80, s7, s7, $0xb8;
	[tilespmem:$0x14280] =	vst v63  }
0x1b: {  	_ =	swait.ge [sflag:s13], $0x80  }
0x1c: {  	[sflag:s13] =	ssyncset.done $0x0  }
0x1d: {  	s16 =	simm.s32 $0x8280;
	[sflag:s13] =	ssyncadd.s32 $0xFFFFFF80  }
0x1e: {  	[tilespmem:s16], [sflag:$0x2] =	stream.indirect.gather [hbm4b:s2+s7], $0x80, s8, s7, $0xb8;
	[tilespmem:$0x14280] =	vst v63  }
0x1f: {  	_ =	swait.ge [sflag:s13], $0x80  }
0x20: {  	[sflag:s13] =	ssyncset.done $0x0  }
0x21: {  	s17 =	simm.s32 $0xC280;
	[sflag:s13] =	ssyncadd.s32 $0xFFFFFF80  }
0x22: {  	[tilespmem:s17], [sflag:$0x2] =	stream.indirect.gather [hbm4b:s2+s7], $0x80, s10, s7, $0xb8;
	[tilespmem:$0x14280] =	vst v63  }
0x23: {  	_ =	swait.ge [sflag:s13], $0x80  }
0x24: {  	[sflag:s13] =	ssyncset.done $0x0  }
0x25: {  	s18 =	simm.s32 $0x10280;
	s19 =	simm.s32 $0x2;
	[sflag:s13] =	ssyncadd.s32 $0xFFFFFF80  }
0x26: {  	[tilespmem:s18], [sflag:$0x2] =	stream.indirect.gather [hbm4b:s2+s7], $0x80, s12, s7, $0xb8;
	[tilespmem:$0x14280] =	vst v63  }
0x27: {  	_ =	swait.ge [sflag:s19], $0x4000  }
0x28: {  	s20 =	sshll.u32 s20, $0x4;
	[sflag:s19] =	ssyncset.done $0x0  }
0x29: {  	s20 =	sadd.s32 s24, s20;
	[sflag:s19] =	ssyncadd.s32 $0xFFFFC000  }
0x2a: {  	[hbm4b:s20+s3] =	stream.linear.scatter [tilespmem:s14], [sflag:$0x3], $0x4000, $0x38;
	[tilespmem:$0x14280] =	vst v63  }
0x2b: {  	_ =	swait.ge [sflag:s19], $0x4000  }
0x2c: {  	s21 =	sshll.u32 s21, $0x4;
	[sflag:s19] =	ssyncset.done $0x0  }
0x2d: {  	s21 =	sadd.s32 s24, s21;
	[sflag:s19] =	ssyncadd.s32 $0xFFFFC000  }
0x2e: {  	[hbm4b:s21+s3] =	stream.linear.scatter [tilespmem:s15], [sflag:$0x3], $0x4000, $0x38;
	[tilespmem:$0x14280] =	vst v63  }
0x2f: {  	_ =	swait.ge [sflag:s19], $0x4000  }
0x30: {  	s22 =	sshll.u32 s22, $0x4;
	[sflag:s19] =	ssyncset.done $0x0  }
0x31: {  	s22 =	sadd.s32 s24, s22;
	[sflag:s19] =	ssyncadd.s32 $0xFFFFC000  }
0x32: {  	[hbm4b:s22+s3] =	stream.linear.scatter [tilespmem:s16], [sflag:$0x3], $0x4000, $0x38;
	[tilespmem:$0x14280] =	vst v63  }
0x33: {  	_ =	swait.ge [sflag:s19], $0x4000  }
0x34: {  	s23 =	sshll.u32 s23, $0x4;
	[sflag:s19] =	ssyncset.done $0x0  }
0x35: {  	s23 =	sadd.s32 s24, s23;
	[sflag:s19] =	ssyncadd.s32 $0xFFFFC000  }
0x36: {  	[hbm4b:s23+s3] =	stream.linear.scatter [tilespmem:s17], [sflag:$0x3], $0x4000, $0x38;
	[tilespmem:$0x14280] =	vst v63  }
0x37: {  	_ =	swait.ge [sflag:s19], $0x4000  }
0x38: {  	s25 =	sshll.u32 s25, $0x4;
	[sflag:s19] =	ssyncset.done $0x0  }
0x39: {  	s24 =	sadd.s32 s24, s25;
	s25 =	simm.s32 $0x3;
	[sflag:s19] =	ssyncadd.s32 $0xFFFFC000  }
0x3a: {  	[hbm4b:s24+s3] =	stream.linear.scatter [tilespmem:s18], [sflag:$0x3], $0x4000, $0x38;
	[tilespmem:$0x14280] =	vst v63  }
0x3b: {  	_ =	swait.ge [sflag:s25], $0x4000  }
0x3c: {  	[sflag:s25] =	ssyncset.done $0x0  }
0x3d: {  	[sflag:s25] =	ssyncadd.s32 $0xFFFFC000  }
0x3e: {  	_ =	swait.ge [sflag:s25], $0x4000  }
0x3f: {  	s26 =	ssub.s32 $0x2, s26;
	[sflag:s25] =	ssyncset.done $0x0  }
0x40: {  	s28 =	sshrl.u32 s26, $0x1;
	[sflag:s25] =	ssyncadd.s32 $0xFFFFC000  }
0x41: {  	s26 =	ssub.s32 s26, s28;
	_ =	swait.ge [sflag:s25], $0x4000  }
0x42: {  	s26 =	smax.u32 s26, $0x1;
	[sflag:s25] =	ssyncset.done $0x0  }
0x43: {  	p0 =	sne.s32 s26, $0x1;
	[sflag:s25] =	ssyncadd.s32 $0xFFFFC000  }
.Ltmp0:
0x44: {  	_ =	swait.ge [sflag:s25], $0x4000;
	(pc) =	sbr.rel @!p0 .LBB2_2-.Ltmp0, $4  }
0x45: {  	[sflag:s25] =	ssyncset.done $0x0  }
0x46: {  	[sflag:s25] =	ssyncadd.s32 $0xFFFFC000  }
0x47: {  	_ =	swait.ge [sflag:s25], $0x4000  }
0x48: {  	s26 =	sadd.s32 $0xFFFFFFFF, s26;
	[sflag:s25] =	ssyncset.done $0x0  }
.LBB2_1:
0x49: {  	p0 =	sne.s32 s26, $0x1;
	s26 =	sadd.s32 $0xFFFFFFFF, s26;
	[sflag:s25] =	ssyncadd.s32 $0xFFFFC000  }
0x4a: {  	[tilespmem:s3], [sflag:$0x1] =	stream.linear.gather [hbm4b:s4+s3], $0x80, $0x38;
	[tilespmem:$0x14280] =	vst v63  }
0x4b: {  	_ = 	snop  }
0x4c: {  	[tilespmem:s7], [sflag:$0x1] =	stream.linear.gather [hbm4b:s5+s3], $0x80, $0x38;
	[tilespmem:$0x14280] =	vst v63  }
0x4d: {  	_ = 	snop  }
0x4e: {  	[tilespmem:s8], [sflag:$0x1] =	stream.linear.gather [hbm4b:s6+s3], $0x80, $0x38;
	[tilespmem:$0x14280] =	vst v63  }
0x4f: {  	_ = 	snop  }
0x50: {  	[tilespmem:s10], [sflag:$0x1] =	stream.linear.gather [hbm4b:s9+s3], $0x80, $0x38;
	[tilespmem:$0x14280] =	vst v63  }
0x51: {  	_ = 	snop  }
0x52: {  	[tilespmem:s12], [sflag:$0x1] =	stream.linear.gather [hbm4b:s11+s3], $0x80, $0x38;
	[tilespmem:$0x14280] =	vst v63  }
0x53: {  	_ =	swait.ge [sflag:s13], $0x80  }
0x54: {  	[sflag:s13] =	ssyncset.done $0x0  }
0x55: {  	[sflag:s13] =	ssyncadd.s32 $0xFFFFFF80  }
0x56: {  	[tilespmem:s14], [sflag:$0x2] =	stream.indirect.gather [hbm4b:s2+s7], $0x80, s3, s7, $0xb8;
	[tilespmem:$0x14280] =	vst v63  }
0x57: {  	_ =	swait.ge [sflag:s13], $0x80  }
0x58: {  	[sflag:s13] =	ssyncset.done $0x0  }
0x59: {  	[sflag:s13] =	ssyncadd.s32 $0xFFFFFF80  }
0x5a: {  	[tilespmem:s15], [sflag:$0x2] =	stream.indirect.gather [hbm4b:s2+s7], $0x80, s7, s7, $0xb8;
	[tilespmem:$0x14280] =	vst v63  }
0x5b: {  	_ =	swait.ge [sflag:s13], $0x80  }
0x5c: {  	[sflag:s13] =	ssyncset.done $0x0  }
0x5d: {  	[sflag:s13] =	ssyncadd.s32 $0xFFFFFF80  }
0x5e: {  	[tilespmem:s16], [sflag:$0x2] =	stream.indirect.gather [hbm4b:s2+s7], $0x80, s8, s7, $0xb8;
	[tilespmem:$0x14280] =	vst v63  }
0x5f: {  	_ =	swait.ge [sflag:s13], $0x80  }
0x60: {  	[sflag:s13] =	ssyncset.done $0x0  }
0x61: {  	[sflag:s13] =	ssyncadd.s32 $0xFFFFFF80  }
0x62: {  	[tilespmem:s17], [sflag:$0x2] =	stream.indirect.gather [hbm4b:s2+s7], $0x80, s10, s7, $0xb8;
	[tilespmem:$0x14280] =	vst v63  }
0x63: {  	_ =	swait.ge [sflag:s13], $0x80  }
0x64: {  	[sflag:s13] =	ssyncset.done $0x0  }
0x65: {  	[sflag:s13] =	ssyncadd.s32 $0xFFFFFF80  }
0x66: {  	[tilespmem:s18], [sflag:$0x2] =	stream.indirect.gather [hbm4b:s2+s7], $0x80, s12, s7, $0xb8;
	[tilespmem:$0x14280] =	vst v63  }
0x67: {  	_ =	swait.ge [sflag:s19], $0x4000  }
0x68: {  	[sflag:s19] =	ssyncset.done $0x0  }
0x69: {  	[sflag:s19] =	ssyncadd.s32 $0xFFFFC000  }
0x6a: {  	[hbm4b:s20+s3] =	stream.linear.scatter [tilespmem:s14], [sflag:$0x3], $0x4000, $0x38;
	[tilespmem:$0x14280] =	vst v63  }
0x6b: {  	_ =	swait.ge [sflag:s19], $0x4000  }
0x6c: {  	[sflag:s19] =	ssyncset.done $0x0  }
0x6d: {  	[sflag:s19] =	ssyncadd.s32 $0xFFFFC000  }
0x6e: {  	[hbm4b:s21+s3] =	stream.linear.scatter [tilespmem:s15], [sflag:$0x3], $0x4000, $0x38;
	[tilespmem:$0x14280] =	vst v63  }
0x6f: {  	_ =	swait.ge [sflag:s19], $0x4000  }
0x70: {  	[sflag:s19] =	ssyncset.done $0x0  }
0x71: {  	[sflag:s19] =	ssyncadd.s32 $0xFFFFC000  }
0x72: {  	[hbm4b:s22+s3] =	stream.linear.scatter [tilespmem:s16], [sflag:$0x3], $0x4000, $0x38;
	[tilespmem:$0x14280] =	vst v63  }
0x73: {  	_ =	swait.ge [sflag:s19], $0x4000  }
0x74: {  	[sflag:s19] =	ssyncset.done $0x0  }
0x75: {  	[sflag:s19] =	ssyncadd.s32 $0xFFFFC000  }
0x76: {  	[hbm4b:s23+s3] =	stream.linear.scatter [tilespmem:s17], [sflag:$0x3], $0x4000, $0x38;
	[tilespmem:$0x14280] =	vst v63  }
0x77: {  	_ =	swait.ge [sflag:s19], $0x4000  }
0x78: {  	[sflag:s19] =	ssyncset.done $0x0  }
0x79: {  	[sflag:s19] =	ssyncadd.s32 $0xFFFFC000  }
0x7a: {  	[hbm4b:s24+s3] =	stream.linear.scatter [tilespmem:s18], [sflag:$0x3], $0x4000, $0x38;
	[tilespmem:$0x14280] =	vst v63  }
0x7b: {  	_ =	swait.ge [sflag:s25], $0x4000  }
0x7c: {  	[sflag:s25] =	ssyncset.done $0x0  }
0x7d: {  	[sflag:s25] =	ssyncadd.s32 $0xFFFFC000  }
0x7e: {  	_ =	swait.ge [sflag:s25], $0x4000  }
0x7f: {  	[sflag:s25] =	ssyncset.done $0x0  }
0x80: {  	[sflag:s25] =	ssyncadd.s32 $0xFFFFC000  }
0x81: {  	_ =	swait.ge [sflag:s25], $0x4000  }
0x82: {  	[sflag:s25] =	ssyncset.done $0x0  }
0x83: {  	[sflag:s25] =	ssyncadd.s32 $0xFFFFC000  }
.Ltmp1:
0x84: {  	_ =	swait.ge [sflag:s25], $0x4000;
	(pc) =	sbr.rel @p0 .LBB2_1-.Ltmp1, $4  }
0x85: {  	[sflag:s25] =	ssyncset.done $0x0  }
0x86: {  	[sflag:s25] =	ssyncadd.s32 $0xFFFFC000  }
0x87: {  	_ =	swait.ge [sflag:s25], $0x4000  }
0x88: {  	[sflag:s25] =	ssyncset.done $0x0  }
.LBB2_2:
0x89: {  	[sflag:s25] =	ssyncadd.s32 $0xFFFFC000  }
0x8a: {  	_ =	sfence.sel $0x180000  }
0x8b: {  	[bflag:$0x0] =	sbarrier.arrive $0xFFFF  }
0x8c: {  	p0 =	sne.s32 s1, $0x0;
	_ =	strace $0x90000047  }
0x8d: {  	s0 =	sadd.s32 @!p0 $0x100000, s0;
	[bflag:$0x2] =	sbarrier.arrive $0xFFFF  }
0x8e: {  	[sflag:s0] =	ssyncadd.tile.s32 @!p0 $0x1;
	_ =	shalt  }
.Lfunc_end2:
_tile_overlayer_lowered:
.L_overlay_start_2:
0x8f: {  	(tag) =	ssettag $0x2  }
0x90: {  	s0 =	rddreg [dreg:$0x0];
	s2 =	stileid.u32  }
0x91: {  	s1 =	rddreg [dreg:$0x1];
	p0 =	sne.s32 s2, $0x0  }
0x92: {  	s3 =	rddreg [dreg:$0x2];
	[bflag:$0x3] =	sbarrier.arrive $0xFFFF;
	s2 =	simm.s32 @!p0 $0x1C04  }
0x93: {  	[timem:s3], [sflag:s2] =	dma.local @!p0 [hbm:s0], s1  }
0x94: {  	s0 =	simm.s32 @!p0 $0x4  }
0x95: {  	_ =	swait.ge @!p0 [sflag:s0], s1  }
0x96: {  	s1 =	ssub.s32 @!p0 $0x0, s1;
	[sflag:s0] =	ssyncset.done @!p0 $0x0  }
0x97: {  	[sflag:s0] =	ssyncadd.s32 @!p0 s1  }
0x98: {  	[bflag:$0x3] =	sbarrier.arrive $0xFFFF  }
0x99: {  	_ =	shalt  }

</sc_bundles>
